<compile_context>
chip_gen: v7x
topology: tpu7x:2x2x1
jax: 0.10.2.dev20260603
libtpu: 0.0.44.dev20260713+nightly
codegen_flags: <defaults>
</compile_context>

<pallas_src>
import functools

import jax
import jax.numpy as jnp
from jax.experimental import pallas as pl
from jax.experimental.pallas import tpu as pltpu

D = 256
H = 8
DH = D // H
L = 4
HID = 1024


def _block_kernel(x_ref, mem_ref, sc_ref, sp_ref,
                  wq_ref, wk_ref, wv_ref, bq_ref, bk_ref, bv_ref,
                  wo_ref, bo_ref, w1_ref, b1_ref, w2_ref, b2_ref,
                  ws_ref, bs_ref, g1_ref, be1_ref, g2_ref, be2_ref,
                  out_ref):
    f32 = jnp.float32
    bf16 = jnp.bfloat16

    def dotf(a, b):
        return jnp.dot(a, b, preferred_element_type=f32)

    x = x_ref[...]
    mem3 = mem_ref[...]
    mem2 = mem3.reshape(mem3.shape[0], L * D)
    mems = [mem2[:, l * D:(l + 1) * D] for l in range(L)]
    mems16 = [m.astype(bf16) for m in mems]
    x16 = x.astype(bf16)

    q = (dotf(x16, wq_ref[...]) + bq_ref[...]).astype(bf16)
    ks = [(dotf(m, wk_ref[...]) + bk_ref[...]).astype(bf16) for m in mems16]
    vs = [dotf(m, wv_ref[...]) + bv_ref[...] for m in mems16]

    d_ix = jax.lax.broadcasted_iota(jnp.int32, (D, H), 0)
    h_ix = jax.lax.broadcasted_iota(jnp.int32, (D, H), 1)
    sel = (d_ix // DH == h_ix).astype(bf16)
    scale = 1.0 / (DH ** 0.5)
    logits = [dotf(q * k, sel) * scale for k in ks]

    mx = functools.reduce(jnp.maximum, logits)
    es = [jnp.exp(s - mx) for s in logits]
    den = functools.reduce(jnp.add, es)
    attn = [(e / den).astype(bf16) for e in es]

    h_ix2 = jax.lax.broadcasted_iota(jnp.int32, (H, D), 0)
    d_ix2 = jax.lax.broadcasted_iota(jnp.int32, (H, D), 1)
    expand = (d_ix2 // DH == h_ix2).astype(bf16)
    o = functools.reduce(jnp.add,
                         [dotf(w, expand) * v
                          for w, v in zip(attn, vs)])

    o2 = dotf(o.astype(bf16), wo_ref[...]) + bo_ref[...]

    def ln(t, g, b):
        m = jnp.mean(t, axis=-1, keepdims=True)
        c = t - m
        v = jnp.mean(c * c, axis=-1, keepdims=True)
        return c * jax.lax.rsqrt(v + 1e-5) * g + b

    e = ln(x + o2, g1_ref[...], be1_ref[...])
    e16 = e.astype(bf16)
    h1 = jnp.maximum(dotf(e16, w1_ref[...]) + b1_ref[...], 0.0)
    f = dotf(h1.astype(bf16), w2_ref[...]) + b2_ref[...]
    e2 = ln(e + f, g2_ref[...], be2_ref[...])

    saved = (sp_ref[...] == 0) & (sc_ref[...] > 0.0)
    save_embed = dotf(e2.astype(bf16), ws_ref[...]) + bs_ref[...]

    out_ref[:, 0:D] = e2
    out_ref[:, D:2 * D] = jnp.where(saved, mems[1], mems[0])
    out_ref[:, 2 * D:3 * D] = jnp.where(saved, mems[2], mems[1])
    out_ref[:, 3 * D:4 * D] = jnp.where(saved, mems[3], mems[2])
    out_ref[:, 4 * D:5 * D] = jnp.where(saved, save_embed, mems[3])


def kernel(output_embedding, scores, mem_padding_mask, save_period, mem_bank,
           save_proj_w, save_proj_b, in_proj_w, in_proj_b, out_proj_w,
           out_proj_b, fc1_w, fc1_b, fc2_w, fc2_b, ln1_g, ln1_b, ln2_g, ln2_b):
    N = output_embedding.shape[0]
    B = 1024
    grid = (N // B,)

    sc2 = scores.reshape(N, 1)
    sp2 = save_period.astype(jnp.int32).reshape(N, 1)

    bf = jnp.bfloat16
    wq = in_proj_w[:D].T.astype(bf)
    wk = in_proj_w[D:2 * D].T.astype(bf)
    wv = in_proj_w[2 * D:].T.astype(bf)
    bq = in_proj_b[:D].reshape(1, D).astype(bf)
    bk = in_proj_b[D:2 * D].reshape(1, D).astype(bf)
    bv = in_proj_b[2 * D:].reshape(1, D).astype(bf)
    wo = out_proj_w.T.astype(bf)
    bo = out_proj_b.reshape(1, D)
    w1 = fc1_w.T.astype(bf)
    b1 = fc1_b.reshape(1, HID).astype(bf)
    w2 = fc2_w.T.astype(bf)
    b2 = fc2_b.reshape(1, D)
    wsv = save_proj_w.T.astype(bf)
    bsv = save_proj_b.reshape(1, D)
    g1 = ln1_g.reshape(1, D)
    be1 = ln1_b.reshape(1, D)
    g2 = ln2_g.reshape(1, D)
    be2 = ln2_b.reshape(1, D)

    def row_spec(shape):
        nd = len(shape)
        return pl.BlockSpec((B,) + shape[1:],
                            lambda i, _nd=nd: (i,) + (0,) * (_nd - 1))

    def full_spec(shape):
        nd = len(shape)
        return pl.BlockSpec(shape, lambda i, _nd=nd: (0,) * _nd)

    in_specs = [
        row_spec((N, D)),
        row_spec((N, L, D)),
        row_spec((N, 1)),
        row_spec((N, 1)),
    ] + [full_spec(w.shape) for w in
         (wq, wk, wv, bq, bk, bv, wo, bo, w1, b1, w2, b2, wsv, bsv,
          g1, be1, g2, be2)]

    out = pl.pallas_call(
        _block_kernel,
        grid=grid,
        in_specs=in_specs,
        out_specs=row_spec((N, 5 * D)),
        out_shape=jax.ShapeDtypeStruct((N, 5 * D), jnp.float32),
        compiler_params=pltpu.CompilerParams(
            dimension_semantics=("parallel",)),
    )(output_embedding, mem_bank, sc2, sp2,
      wq, wk, wv, bq, bk, bv, wo, bo, w1, b1, w2, b2, wsv, bsv,
      g1, be1, g2, be2)

    return out.reshape(N, 5, D)

# --- scband reference (transcript-rebuilt; emitter-appended) ---
"""Pipeline reference for scband-memory-bank-25821343384040 (READ-ONLY COPY).

The authoritative reference and input builder live on the scoring server;
editing this copy changes nothing except your own understanding.
"""

import jax, jax.numpy as jnp
import numpy as np

D = 256
H = 8
HID = 1024
L = 4
N = 32768

def _ln(x, g, b, eps=1e-5):
    m = jnp.mean(x, axis=-1, keepdims=True)
    v = jnp.var(x, axis=-1, keepdims=True)
    return (x - m) / jnp.sqrt(v + eps) * g + b

def setup_inputs(seed: int = 0):
    key = jax.random.key(seed)
    ks = jax.random.split(key, 16)
    def xavier(k, shape):
        fan_out, fan_in = shape[0], shape[1]
        lim = (6.0 / (fan_in + fan_out)) ** 0.5
        return jax.random.uniform(k, shape, jnp.float32, -lim, lim)
    inp = {}
    inp["output_embedding"] = jax.random.normal(ks[0], (N, D), jnp.float32)
    inp["scores"] = jax.random.uniform(ks[1], (N,), jnp.float32)
    inp["mem_padding_mask"] = jnp.zeros((N, L), dtype=bool)
    inp["save_period"] = jax.random.randint(ks[2], (N,), 0, 3)
    inp["mem_bank"] = jax.random.normal(ks[3], (N, L, D), jnp.float32)
    inp["save_proj_w"] = xavier(ks[4], (D, D)); inp["save_proj_b"] = jnp.zeros((D,), jnp.float32)
    inp["in_proj_w"] = xavier(ks[5], (3 * D, D)); inp["in_proj_b"] = jnp.zeros((3 * D,), jnp.float32)
    inp["out_proj_w"] = xavier(ks[6], (D, D)); inp["out_proj_b"] = jnp.zeros((D,), jnp.float32)
    inp["fc1_w"] = xavier(ks[7], (HID, D)); inp["fc1_b"] = jnp.zeros((HID,), jnp.float32)
    inp["fc2_w"] = xavier(ks[8], (D, HID)); inp["fc2_b"] = jnp.zeros((D,), jnp.float32)
    inp["ln1_g"] = jnp.ones((D,), jnp.float32); inp["ln1_b"] = jnp.zeros((D,), jnp.float32)
    inp["ln2_g"] = jnp.ones((D,), jnp.float32); inp["ln2_b"] = jnp.zeros((D,), jnp.float32)
    return inp

def reference(output_embedding, scores, mem_padding_mask, save_period, mem_bank,
              save_proj_w, save_proj_b, in_proj_w, in_proj_b, out_proj_w, out_proj_b,
              fc1_w, fc1_b, fc2_w, fc2_b, ln1_g, ln1_b, ln2_g, ln2_b):
    dh = D // H
    x = output_embedding
    valid = ~mem_padding_mask[:, -1]
    # _forward_temporal_attn: per-track MultiheadAttention, query len 1, keys = mem_bank (len L)
    q = x @ in_proj_w[:D].T + in_proj_b[:D]
    k = mem_bank @ in_proj_w[D:2 * D].T + in_proj_b[D:2 * D]
    v = mem_bank @ in_proj_w[2 * D:].T + in_proj_b[2 * D:]
    qh = q.reshape(-1, H, dh)
    kh = k.reshape(-1, L, H, dh)
    vh = v.reshape(-1, L, H, dh)
    logits = jnp.einsum('nhd,nlhd->nhl', qh, kh) / jnp.sqrt(jnp.float32(dh))
    logits = jnp.where(mem_padding_mask[:, None, :], -1e9, logits)
    attn = jax.nn.softmax(logits, axis=-1)
    o = jnp.einsum('nhl,nlhd->nhd', attn, vh).reshape(-1, D)
    o = o @ out_proj_w.T + out_proj_b
    e = _ln(x + o, ln1_g, ln1_b)
    e2 = jnp.maximum(e @ fc1_w.T + fc1_b, 0.0) @ fc2_w.T + fc2_b
    e = _ln(e + e2, ln2_g, ln2_b)
    out_embed = jnp.where(valid[:, None], e, x)
    # update() in eval mode: masked scatter-overwrite into memory bank
    saved = (save_period == 0) & (scores > 0.0)
    save_embed = out_embed @ save_proj_w.T + save_proj_b
    shifted = jnp.concatenate([mem_bank[:, 1:], save_embed[:, None, :]], axis=1)
    mem_bank_new = jnp.where(saved[:, None, None], shifted, mem_bank)
    return jnp.concatenate([out_embed[:, None, :], mem_bank_new], axis=1)

if __name__ == "__main__":
    import jax
    _d = setup_inputs()
    print(jax.jit(kernel)(*tuple(_d.values())))

</pallas_src>

<mosaic_0001>
module attributes {stable_mosaic.version = 14 : i64} {
  func.func @_block_kernel(%arg0: i32, %arg1: memref<1024x256xf32, #tpu.memory_space<vmem>>, %arg2: memref<1024x4x256xf32, #tpu.memory_space<vmem>>, %arg3: memref<1024x1xf32, #tpu.memory_space<vmem>>, %arg4: memref<1024x1xi32, #tpu.memory_space<vmem>>, %arg5: memref<256x256xbf16, #tpu.memory_space<vmem>>, %arg6: memref<256x256xbf16, #tpu.memory_space<vmem>>, %arg7: memref<256x256xbf16, #tpu.memory_space<vmem>>, %arg8: memref<1x256xbf16, #tpu.memory_space<vmem>>, %arg9: memref<1x256xbf16, #tpu.memory_space<vmem>>, %arg10: memref<1x256xbf16, #tpu.memory_space<vmem>>, %arg11: memref<256x256xbf16, #tpu.memory_space<vmem>>, %arg12: memref<1x256xf32, #tpu.memory_space<vmem>>, %arg13: memref<256x1024xbf16, #tpu.memory_space<vmem>>, %arg14: memref<1x1024xbf16, #tpu.memory_space<vmem>>, %arg15: memref<1024x256xbf16, #tpu.memory_space<vmem>>, %arg16: memref<1x256xf32, #tpu.memory_space<vmem>>, %arg17: memref<256x256xbf16, #tpu.memory_space<vmem>>, %arg18: memref<1x256xf32, #tpu.memory_space<vmem>>, %arg19: memref<1x256xf32, #tpu.memory_space<vmem>>, %arg20: memref<1x256xf32, #tpu.memory_space<vmem>>, %arg21: memref<1x256xf32, #tpu.memory_space<vmem>>, %arg22: memref<1x256xf32, #tpu.memory_space<vmem>>, %arg23: memref<1024x1280xf32, #tpu.memory_space<vmem>>) attributes {dimension_semantics = [#tpu.dimension_semantics<parallel>], iteration_bounds = array<i64: 32>, scalar_prefetch = 0 : i64, scratch_operands = 0 : i64, tpu.core_type = #tpu.core_type<tc>, window_params = [{transform_indices = @transform_0, window_bounds = array<i64: 1024, 256>}, {transform_indices = @transform_1, window_bounds = array<i64: 1024, 4, 256>}, {transform_indices = @transform_2, window_bounds = array<i64: 1024, 1>}, {transform_indices = @transform_3, window_bounds = array<i64: 1024, 1>}, {pipeline_mode = #tpu.pipeline_mode<synchronous>, transform_indices = @transform_4, window_bounds = array<i64: 256, 256>}, {pipeline_mode = #tpu.pipeline_mode<synchronous>, transform_indices = @transform_5, window_bounds = array<i64: 256, 256>}, {pipeline_mode = #tpu.pipeline_mode<synchronous>, transform_indices = @transform_6, window_bounds = array<i64: 256, 256>}, {pipeline_mode = #tpu.pipeline_mode<synchronous>, transform_indices = @transform_7, window_bounds = array<i64: 1, 256>}, {pipeline_mode = #tpu.pipeline_mode<synchronous>, transform_indices = @transform_8, window_bounds = array<i64: 1, 256>}, {pipeline_mode = #tpu.pipeline_mode<synchronous>, transform_indices = @transform_9, window_bounds = array<i64: 1, 256>}, {pipeline_mode = #tpu.pipeline_mode<synchronous>, transform_indices = @transform_10, window_bounds = array<i64: 256, 256>}, {pipeline_mode = #tpu.pipeline_mode<synchronous>, transform_indices = @transform_11, window_bounds = array<i64: 1, 256>}, {pipeline_mode = #tpu.pipeline_mode<synchronous>, transform_indices = @transform_12, window_bounds = array<i64: 256, 1024>}, {pipeline_mode = #tpu.pipeline_mode<synchronous>, transform_indices = @transform_13, window_bounds = array<i64: 1, 1024>}, {pipeline_mode = #tpu.pipeline_mode<synchronous>, transform_indices = @transform_14, window_bounds = array<i64: 1024, 256>}, {pipeline_mode = #tpu.pipeline_mode<synchronous>, transform_indices = @transform_15, window_bounds = array<i64: 1, 256>}, {pipeline_mode = #tpu.pipeline_mode<synchronous>, transform_indices = @transform_16, window_bounds = array<i64: 256, 256>}, {pipeline_mode = #tpu.pipeline_mode<synchronous>, transform_indices = @transform_17, window_bounds = array<i64: 1, 256>}, {pipeline_mode = #tpu.pipeline_mode<synchronous>, transform_indices = @transform_18, window_bounds = array<i64: 1, 256>}, {pipeline_mode = #tpu.pipeline_mode<synchronous>, transform_indices = @transform_19, window_bounds = array<i64: 1, 256>}, {pipeline_mode = #tpu.pipeline_mode<synchronous>, transform_indices = @transform_20, window_bounds = array<i64: 1, 256>}, {pipeline_mode = #tpu.pipeline_mode<synchronous>, transform_indices = @transform_21, window_bounds = array<i64: 1, 256>}, {transform_indices = @transform_22, window_bounds = array<i64: 1024, 1280>}]} {
    %get3A = arith.constant 0 : index
    %get3A_0 = arith.constant 0 : index
    %get3A_1 = vector.load %arg1[%get3A, %get3A_0] : memref<1024x256xf32, #tpu.memory_space<vmem>>, vector<1024x256xf32>
    %get3A_2 = arith.constant 0 : index
    %get3A_3 = arith.constant 0 : index
    %get3A_4 = arith.constant 0 : index
    %get3A_5 = vector.load %arg2[%get3A_2, %get3A_3, %get3A_4] : memref<1024x4x256xf32, #tpu.memory_space<vmem>>, vector<1024x4x256xf32>
    %reshape3A = vector.shape_cast %get3A_5 : vector<1024x4x256xf32> to vector<1024x1024xf32>
    %slice3A = vector.extract_strided_slice %reshape3A {offsets = [0, 0], sizes = [1024, 256], strides = [1, 1]} : vector<1024x1024xf32> to vector<1024x256xf32>
    %slice3A_6 = vector.extract_strided_slice %reshape3A {offsets = [0, 256], sizes = [1024, 256], strides = [1, 1]} : vector<1024x1024xf32> to vector<1024x256xf32>
    %slice3A_7 = vector.extract_strided_slice %reshape3A {offsets = [0, 512], sizes = [1024, 256], strides = [1, 1]} : vector<1024x1024xf32> to vector<1024x256xf32>
    %slice3A_8 = vector.extract_strided_slice %reshape3A {offsets = [0, 768], sizes = [1024, 256], strides = [1, 1]} : vector<1024x1024xf32> to vector<1024x256xf32>
    %convert_element_type3A = arith.truncf %slice3A : vector<1024x256xf32> to vector<1024x256xbf16>
    %convert_element_type3A_9 = arith.truncf %slice3A_6 : vector<1024x256xf32> to vector<1024x256xbf16>
    %convert_element_type3A_10 = arith.truncf %slice3A_7 : vector<1024x256xf32> to vector<1024x256xbf16>
    %convert_element_type3A_11 = arith.truncf %slice3A_8 : vector<1024x256xf32> to vector<1024x256xbf16>
    %convert_element_type3A_12 = arith.truncf %get3A_1 : vector<1024x256xf32> to vector<1024x256xbf16>
    %get3A_13 = arith.constant 0 : index
    %get3A_14 = arith.constant 0 : index
    %get3A_15 = vector.load %arg5[%get3A_13, %get3A_14] : memref<256x256xbf16, #tpu.memory_space<vmem>>, vector<256x256xbf16>
    %dot_general3A = arith.constant dense<0.000000e+00> : vector<1024x256xf32>
    %dot_general3A_16 = tpu.matmul %convert_element_type3A_12, %get3A_15, %dot_general3A {dimension_numbers = #tpu.dot_dimension_numbers<[1], [0], [0], [1], [0, 0, 1, 1], [], []>, transpose_lhs_hint = false} : vector<1024x256xbf16>, vector<256x256xbf16>, vector<1024x256xf32> -> vector<1024x256xf32>
    %get3A_17 = arith.constant 0 : index
    %get3A_18 = arith.constant 0 : index
    %get3A_19 = vector.load %arg8[%get3A_17, %get3A_18] : memref<1x256xbf16, #tpu.memory_space<vmem>>, vector<1x256xbf16>
    %convert_element_type3A_20 = arith.extf %get3A_19 : vector<1x256xbf16> to vector<1x256xf32>
    %add3A = vector.broadcast %convert_element_type3A_20 : vector<1x256xf32> to vector<1024x256xf32>
    %add3A_21 = arith.addf %dot_general3A_16, %add3A : vector<1024x256xf32>
    %convert_element_type3A_22 = arith.truncf %add3A_21 : vector<1024x256xf32> to vector<1024x256xbf16>
    %get3A_23 = arith.constant 0 : index
    %get3A_24 = arith.constant 0 : index
    %get3A_25 = vector.load %arg6[%get3A_23, %get3A_24] : memref<256x256xbf16, #tpu.memory_space<vmem>>, vector<256x256xbf16>
    %dot_general3A_26 = arith.constant dense<0.000000e+00> : vector<1024x256xf32>
    %dot_general3A_27 = tpu.matmul %convert_element_type3A, %get3A_25, %dot_general3A_26 {dimension_numbers = #tpu.dot_dimension_numbers<[1], [0], [0], [1], [0, 0, 1, 1], [], []>, transpose_lhs_hint = false} : vector<1024x256xbf16>, vector<256x256xbf16>, vector<1024x256xf32> -> vector<1024x256xf32>
    %get3A_28 = arith.constant 0 : index
    %get3A_29 = arith.constant 0 : index
    %get3A_30 = vector.load %arg9[%get3A_28, %get3A_29] : memref<1x256xbf16, #tpu.memory_space<vmem>>, vector<1x256xbf16>
    %convert_element_type3A_31 = arith.extf %get3A_30 : vector<1x256xbf16> to vector<1x256xf32>
    %add3A_32 = vector.broadcast %convert_element_type3A_31 : vector<1x256xf32> to vector<1024x256xf32>
    %add3A_33 = arith.addf %dot_general3A_27, %add3A_32 : vector<1024x256xf32>
    %convert_element_type3A_34 = arith.truncf %add3A_33 : vector<1024x256xf32> to vector<1024x256xbf16>
    %get3A_35 = arith.constant 0 : index
    %get3A_36 = arith.constant 0 : index
    %get3A_37 = vector.load %arg6[%get3A_35, %get3A_36] : memref<256x256xbf16, #tpu.memory_space<vmem>>, vector<256x256xbf16>
    %dot_general3A_38 = arith.constant dense<0.000000e+00> : vector<1024x256xf32>
    %dot_general3A_39 = tpu.matmul %convert_element_type3A_9, %get3A_37, %dot_general3A_38 {dimension_numbers = #tpu.dot_dimension_numbers<[1], [0], [0], [1], [0, 0, 1, 1], [], []>, transpose_lhs_hint = false} : vector<1024x256xbf16>, vector<256x256xbf16>, vector<1024x256xf32> -> vector<1024x256xf32>
    %get3A_40 = arith.constant 0 : index
    %get3A_41 = arith.constant 0 : index
    %get3A_42 = vector.load %arg9[%get3A_40, %get3A_41] : memref<1x256xbf16, #tpu.memory_space<vmem>>, vector<1x256xbf16>
    %convert_element_type3A_43 = arith.extf %get3A_42 : vector<1x256xbf16> to vector<1x256xf32>
    %add3A_44 = vector.broadcast %convert_element_type3A_43 : vector<1x256xf32> to vector<1024x256xf32>
    %add3A_45 = arith.addf %dot_general3A_39, %add3A_44 : vector<1024x256xf32>
    %convert_element_type3A_46 = arith.truncf %add3A_45 : vector<1024x256xf32> to vector<1024x256xbf16>
    %get3A_47 = arith.constant 0 : index
    %get3A_48 = arith.constant 0 : index
    %get3A_49 = vector.load %arg6[%get3A_47, %get3A_48] : memref<256x256xbf16, #tpu.memory_space<vmem>>, vector<256x256xbf16>
    %dot_general3A_50 = arith.constant dense<0.000000e+00> : vector<1024x256xf32>
    %dot_general3A_51 = tpu.matmul %convert_element_type3A_10, %get3A_49, %dot_general3A_50 {dimension_numbers = #tpu.dot_dimension_numbers<[1], [0], [0], [1], [0, 0, 1, 1], [], []>, transpose_lhs_hint = false} : vector<1024x256xbf16>, vector<256x256xbf16>, vector<1024x256xf32> -> vector<1024x256xf32>
    %get3A_52 = arith.constant 0 : index
    %get3A_53 = arith.constant 0 : index
    %get3A_54 = vector.load %arg9[%get3A_52, %get3A_53] : memref<1x256xbf16, #tpu.memory_space<vmem>>, vector<1x256xbf16>
    %convert_element_type3A_55 = arith.extf %get3A_54 : vector<1x256xbf16> to vector<1x256xf32>
    %add3A_56 = vector.broadcast %convert_element_type3A_55 : vector<1x256xf32> to vector<1024x256xf32>
    %add3A_57 = arith.addf %dot_general3A_51, %add3A_56 : vector<1024x256xf32>
    %convert_element_type3A_58 = arith.truncf %add3A_57 : vector<1024x256xf32> to vector<1024x256xbf16>
    %get3A_59 = arith.constant 0 : index
    %get3A_60 = arith.constant 0 : index
    %get3A_61 = vector.load %arg6[%get3A_59, %get3A_60] : memref<256x256xbf16, #tpu.memory_space<vmem>>, vector<256x256xbf16>
    %dot_general3A_62 = arith.constant dense<0.000000e+00> : vector<1024x256xf32>
    %dot_general3A_63 = tpu.matmul %convert_element_type3A_11, %get3A_61, %dot_general3A_62 {dimension_numbers = #tpu.dot_dimension_numbers<[1], [0], [0], [1], [0, 0, 1, 1], [], []>, transpose_lhs_hint = false} : vector<1024x256xbf16>, vector<256x256xbf16>, vector<1024x256xf32> -> vector<1024x256xf32>
    %get3A_64 = arith.constant 0 : index
    %get3A_65 = arith.constant 0 : index
    %get3A_66 = vector.load %arg9[%get3A_64, %get3A_65] : memref<1x256xbf16, #tpu.memory_space<vmem>>, vector<1x256xbf16>
    %convert_element_type3A_67 = arith.extf %get3A_66 : vector<1x256xbf16> to vector<1x256xf32>
    %add3A_68 = vector.broadcast %convert_element_type3A_67 : vector<1x256xf32> to vector<1024x256xf32>
    %add3A_69 = arith.addf %dot_general3A_63, %add3A_68 : vector<1024x256xf32>
    %convert_element_type3A_70 = arith.truncf %add3A_69 : vector<1024x256xf32> to vector<1024x256xbf16>
    %get3A_71 = arith.constant 0 : index
    %get3A_72 = arith.constant 0 : index
    %get3A_73 = vector.load %arg7[%get3A_71, %get3A_72] : memref<256x256xbf16, #tpu.memory_space<vmem>>, vector<256x256xbf16>
    %dot_general3A_74 = arith.constant dense<0.000000e+00> : vector<1024x256xf32>
    %dot_general3A_75 = tpu.matmul %convert_element_type3A, %get3A_73, %dot_general3A_74 {dimension_numbers = #tpu.dot_dimension_numbers<[1], [0], [0], [1], [0, 0, 1, 1], [], []>, transpose_lhs_hint = false} : vector<1024x256xbf16>, vector<256x256xbf16>, vector<1024x256xf32> -> vector<1024x256xf32>
    %get3A_76 = arith.constant 0 : index
    %get3A_77 = arith.constant 0 : index
    %get3A_78 = vector.load %arg10[%get3A_76, %get3A_77] : memref<1x256xbf16, #tpu.memory_space<vmem>>, vector<1x256xbf16>
    %convert_element_type3A_79 = arith.extf %get3A_78 : vector<1x256xbf16> to vector<1x256xf32>
    %add3A_80 = vector.broadcast %convert_element_type3A_79 : vector<1x256xf32> to vector<1024x256xf32>
    %add3A_81 = arith.addf %dot_general3A_75, %add3A_80 : vector<1024x256xf32>
    %get3A_82 = arith.constant 0 : index
    %get3A_83 = arith.constant 0 : index
    %get3A_84 = vector.load %arg7[%get3A_82, %get3A_83] : memref<256x256xbf16, #tpu.memory_space<vmem>>, vector<256x256xbf16>
    %dot_general3A_85 = arith.constant dense<0.000000e+00> : vector<1024x256xf32>
    %dot_general3A_86 = tpu.matmul %convert_element_type3A_9, %get3A_84, %dot_general3A_85 {dimension_numbers = #tpu.dot_dimension_numbers<[1], [0], [0], [1], [0, 0, 1, 1], [], []>, transpose_lhs_hint = false} : vector<1024x256xbf16>, vector<256x256xbf16>, vector<1024x256xf32> -> vector<1024x256xf32>
    %get3A_87 = arith.constant 0 : index
    %get3A_88 = arith.constant 0 : index
    %get3A_89 = vector.load %arg10[%get3A_87, %get3A_88] : memref<1x256xbf16, #tpu.memory_space<vmem>>, vector<1x256xbf16>
    %convert_element_type3A_90 = arith.extf %get3A_89 : vector<1x256xbf16> to vector<1x256xf32>
    %add3A_91 = vector.broadcast %convert_element_type3A_90 : vector<1x256xf32> to vector<1024x256xf32>
    %add3A_92 = arith.addf %dot_general3A_86, %add3A_91 : vector<1024x256xf32>
    %get3A_93 = arith.constant 0 : index
    %get3A_94 = arith.constant 0 : index
    %get3A_95 = vector.load %arg7[%get3A_93, %get3A_94] : memref<256x256xbf16, #tpu.memory_space<vmem>>, vector<256x256xbf16>
    %dot_general3A_96 = arith.constant dense<0.000000e+00> : vector<1024x256xf32>
    %dot_general3A_97 = tpu.matmul %convert_element_type3A_10, %get3A_95, %dot_general3A_96 {dimension_numbers = #tpu.dot_dimension_numbers<[1], [0], [0], [1], [0, 0, 1, 1], [], []>, transpose_lhs_hint = false} : vector<1024x256xbf16>, vector<256x256xbf16>, vector<1024x256xf32> -> vector<1024x256xf32>
    %get3A_98 = arith.constant 0 : index
    %get3A_99 = arith.constant 0 : index
    %get3A_100 = vector.load %arg10[%get3A_98, %get3A_99] : memref<1x256xbf16, #tpu.memory_space<vmem>>, vector<1x256xbf16>
    %convert_element_type3A_101 = arith.extf %get3A_100 : vector<1x256xbf16> to vector<1x256xf32>
    %add3A_102 = vector.broadcast %convert_element_type3A_101 : vector<1x256xf32> to vector<1024x256xf32>
    %add3A_103 = arith.addf %dot_general3A_97, %add3A_102 : vector<1024x256xf32>
    %get3A_104 = arith.constant 0 : index
    %get3A_105 = arith.constant 0 : index
    %get3A_106 = vector.load %arg7[%get3A_104, %get3A_105] : memref<256x256xbf16, #tpu.memory_space<vmem>>, vector<256x256xbf16>
    %dot_general3A_107 = arith.constant dense<0.000000e+00> : vector<1024x256xf32>
    %dot_general3A_108 = tpu.matmul %convert_element_type3A_11, %get3A_106, %dot_general3A_107 {dimension_numbers = #tpu.dot_dimension_numbers<[1], [0], [0], [1], [0, 0, 1, 1], [], []>, transpose_lhs_hint = false} : vector<1024x256xbf16>, vector<256x256xbf16>, vector<1024x256xf32> -> vector<1024x256xf32>
    %get3A_109 = arith.constant 0 : index
    %get3A_110 = arith.constant 0 : index
    %get3A_111 = vector.load %arg10[%get3A_109, %get3A_110] : memref<1x256xbf16, #tpu.memory_space<vmem>>, vector<1x256xbf16>
    %convert_element_type3A_112 = arith.extf %get3A_111 : vector<1x256xbf16> to vector<1x256xf32>
    %add3A_113 = vector.broadcast %convert_element_type3A_112 : vector<1x256xf32> to vector<1024x256xf32>
    %add3A_114 = arith.addf %dot_general3A_108, %add3A_113 : vector<1024x256xf32>
    %iota3A = tpu.iota {dimensions = array<i32: 0>} : vector<256x8xi32>
    %iota3A_115 = tpu.iota {dimensions = array<i32: 1>} : vector<256x8xi32>
    %jit3A = arith.constant 32 : i32
    %div3A = vector.broadcast %jit3A : i32 to vector<256x8xi32>
    %div3A_116 = arith.divsi %iota3A, %div3A : vector<256x8xi32>
    %sign3A = arith.constant 0 : i32
    %sign3A_117 = vector.broadcast %sign3A : i32 to vector<256x8xi32>
    %sign3A_118 = arith.cmpi sgt, %iota3A, %sign3A_117 : vector<256x8xi32>
    %sign3A_119 = arith.extui %sign3A_118 : vector<256x8xi1> to vector<256x8xi32>
    %sign3A_120 = arith.constant 0 : i32
    %sign3A_121 = vector.broadcast %sign3A_120 : i32 to vector<256x8xi32>
    %sign3A_122 = arith.cmpi slt, %iota3A, %sign3A_121 : vector<256x8xi32>
    %sign3A_123 = arith.extui %sign3A_122 : vector<256x8xi1> to vector<256x8xi32>
    %sign3A_124 = arith.subi %sign3A_119, %sign3A_123 : vector<256x8xi32>
    %sign3A_125 = arith.constant 0 : i32
    %sign3A_126 = arith.cmpi sgt, %jit3A, %sign3A_125 : i32
    %sign3A_127 = arith.extui %sign3A_126 : i1 to i32
    %sign3A_128 = arith.constant 0 : i32
    %sign3A_129 = arith.cmpi slt, %jit3A, %sign3A_128 : i32
    %sign3A_130 = arith.extui %sign3A_129 : i1 to i32
    %sign3A_131 = arith.subi %sign3A_127, %sign3A_130 : i32
    %ne3A = vector.broadcast %sign3A_131 : i32 to vector<256x8xi32>
    %ne3A_132 = arith.cmpi ne, %sign3A_124, %ne3A : vector<256x8xi32>
    %rem3A = vector.broadcast %jit3A : i32 to vector<256x8xi32>
    %rem3A_133 = arith.remsi %iota3A, %rem3A : vector<256x8xi32>
    %ne3A_134 = arith.constant 0 : i32
    %ne3A_135 = vector.broadcast %ne3A_134 : i32 to vector<256x8xi32>
    %ne3A_136 = arith.cmpi ne, %rem3A_133, %ne3A_135 : vector<256x8xi32>
    %and3A = arith.andi %ne3A_132, %ne3A_136 : vector<256x8xi1>
    %sub3A = arith.constant 1 : i32
    %sub3A_137 = vector.broadcast %sub3A : i32 to vector<256x8xi32>
    %sub3A_138 = arith.subi %div3A_116, %sub3A_137 : vector<256x8xi32>
    %select_n3A = arith.select %and3A, %sub3A_138, %div3A_116 : vector<256x8xi1>, vector<256x8xi32>
    %eq3A = arith.cmpi eq, %select_n3A, %iota3A_115 : vector<256x8xi32>
    %convert_element_type3A_139 = arith.extui %eq3A : vector<256x8xi1> to vector<256x8xi32>
    %convert_element_type3A_140 = arith.sitofp %convert_element_type3A_139 : vector<256x8xi32> to vector<256x8xf32>
    %convert_element_type3A_141 = arith.truncf %convert_element_type3A_140 : vector<256x8xf32> to vector<256x8xbf16>
    %mul3A = arith.mulf %convert_element_type3A_22, %convert_element_type3A_34 : vector<1024x256xbf16>
    %dot_general3A_142 = arith.constant dense<0.000000e+00> : vector<1024x8xf32>
    %dot_general3A_143 = tpu.matmul %mul3A, %convert_element_type3A_141, %dot_general3A_142 {dimension_numbers = #tpu.dot_dimension_numbers<[1], [0], [0], [1], [0, 0, 1, 1], [], []>, transpose_lhs_hint = false} : vector<1024x256xbf16>, vector<256x8xbf16>, vector<1024x8xf32> -> vector<1024x8xf32>
    %mul3A_144 = arith.constant 0.176776692 : f32
    %mul3A_145 = vector.broadcast %mul3A_144 : f32 to vector<1024x8xf32>
    %mul3A_146 = arith.mulf %dot_general3A_143, %mul3A_145 : vector<1024x8xf32>
    %mul3A_147 = arith.mulf %convert_element_type3A_22, %convert_element_type3A_46 : vector<1024x256xbf16>
    %dot_general3A_148 = arith.constant dense<0.000000e+00> : vector<1024x8xf32>
    %dot_general3A_149 = tpu.matmul %mul3A_147, %convert_element_type3A_141, %dot_general3A_148 {dimension_numbers = #tpu.dot_dimension_numbers<[1], [0], [0], [1], [0, 0, 1, 1], [], []>, transpose_lhs_hint = false} : vector<1024x256xbf16>, vector<256x8xbf16>, vector<1024x8xf32> -> vector<1024x8xf32>
    %mul3A_150 = arith.constant 0.176776692 : f32
    %mul3A_151 = vector.broadcast %mul3A_150 : f32 to vector<1024x8xf32>
    %mul3A_152 = arith.mulf %dot_general3A_149, %mul3A_151 : vector<1024x8xf32>
    %mul3A_153 = arith.mulf %convert_element_type3A_22, %convert_element_type3A_58 : vector<1024x256xbf16>
    %dot_general3A_154 = arith.constant dense<0.000000e+00> : vector<1024x8xf32>
    %dot_general3A_155 = tpu.matmul %mul3A_153, %convert_element_type3A_141, %dot_general3A_154 {dimension_numbers = #tpu.dot_dimension_numbers<[1], [0], [0], [1], [0, 0, 1, 1], [], []>, transpose_lhs_hint = false} : vector<1024x256xbf16>, vector<256x8xbf16>, vector<1024x8xf32> -> vector<1024x8xf32>
    %mul3A_156 = arith.constant 0.176776692 : f32
    %mul3A_157 = vector.broadcast %mul3A_156 : f32 to vector<1024x8xf32>
    %mul3A_158 = arith.mulf %dot_general3A_155, %mul3A_157 : vector<1024x8xf32>
    %mul3A_159 = arith.mulf %convert_element_type3A_22, %convert_element_type3A_70 : vector<1024x256xbf16>
    %dot_general3A_160 = arith.constant dense<0.000000e+00> : vector<1024x8xf32>
    %dot_general3A_161 = tpu.matmul %mul3A_159, %convert_element_type3A_141, %dot_general3A_160 {dimension_numbers = #tpu.dot_dimension_numbers<[1], [0], [0], [1], [0, 0, 1, 1], [], []>, transpose_lhs_hint = false} : vector<1024x256xbf16>, vector<256x8xbf16>, vector<1024x8xf32> -> vector<1024x8xf32>
    %mul3A_162 = arith.constant 0.176776692 : f32
    %mul3A_163 = vector.broadcast %mul3A_162 : f32 to vector<1024x8xf32>
    %mul3A_164 = arith.mulf %dot_general3A_161, %mul3A_163 : vector<1024x8xf32>
    %max3A = arith.maximumf %mul3A_146, %mul3A_152 : vector<1024x8xf32>
    %max3A_165 = arith.maximumf %max3A, %mul3A_158 : vector<1024x8xf32>
    %max3A_166 = arith.maximumf %max3A_165, %mul3A_164 : vector<1024x8xf32>
    %sub3A_167 = arith.subf %mul3A_146, %max3A_166 : vector<1024x8xf32>
    %exp3A = math.exp %sub3A_167 : vector<1024x8xf32>
    %sub3A_168 = arith.subf %mul3A_152, %max3A_166 : vector<1024x8xf32>
    %exp3A_169 = math.exp %sub3A_168 : vector<1024x8xf32>
    %sub3A_170 = arith.subf %mul3A_158, %max3A_166 : vector<1024x8xf32>
    %exp3A_171 = math.exp %sub3A_170 : vector<1024x8xf32>
    %sub3A_172 = arith.subf %mul3A_164, %max3A_166 : vector<1024x8xf32>
    %exp3A_173 = math.exp %sub3A_172 : vector<1024x8xf32>
    %add3A_174 = arith.addf %exp3A, %exp3A_169 : vector<1024x8xf32>
    %add3A_175 = arith.addf %add3A_174, %exp3A_171 : vector<1024x8xf32>
    %add3A_176 = arith.addf %add3A_175, %exp3A_173 : vector<1024x8xf32>
    %div3A_177 = arith.divf %exp3A, %add3A_176 : vector<1024x8xf32>
    %convert_element_type3A_178 = arith.truncf %div3A_177 : vector<1024x8xf32> to vector<1024x8xbf16>
    %div3A_179 = arith.divf %exp3A_169, %add3A_176 : vector<1024x8xf32>
    %convert_element_type3A_180 = arith.truncf %div3A_179 : vector<1024x8xf32> to vector<1024x8xbf16>
    %div3A_181 = arith.divf %exp3A_171, %add3A_176 : vector<1024x8xf32>
    %convert_element_type3A_182 = arith.truncf %div3A_181 : vector<1024x8xf32> to vector<1024x8xbf16>
    %div3A_183 = arith.divf %exp3A_173, %add3A_176 : vector<1024x8xf32>
    %convert_element_type3A_184 = arith.truncf %div3A_183 : vector<1024x8xf32> to vector<1024x8xbf16>
    %iota3A_185 = tpu.iota {dimensions = array<i32: 0>} : vector<8x256xi32>
    %iota3A_186 = tpu.iota {dimensions = array<i32: 1>} : vector<8x256xi32>
    %jit3A_187 = arith.constant 32 : i32
    %div3A_188 = vector.broadcast %jit3A_187 : i32 to vector<8x256xi32>
    %div3A_189 = arith.divsi %iota3A_186, %div3A_188 : vector<8x256xi32>
    %sign3A_190 = arith.constant 0 : i32
    %sign3A_191 = vector.broadcast %sign3A_190 : i32 to vector<8x256xi32>
    %sign3A_192 = arith.cmpi sgt, %iota3A_186, %sign3A_191 : vector<8x256xi32>
    %sign3A_193 = arith.extui %sign3A_192 : vector<8x256xi1> to vector<8x256xi32>
    %sign3A_194 = arith.constant 0 : i32
    %sign3A_195 = vector.broadcast %sign3A_194 : i32 to vector<8x256xi32>
    %sign3A_196 = arith.cmpi slt, %iota3A_186, %sign3A_195 : vector<8x256xi32>
    %sign3A_197 = arith.extui %sign3A_196 : vector<8x256xi1> to vector<8x256xi32>
    %sign3A_198 = arith.subi %sign3A_193, %sign3A_197 : vector<8x256xi32>
    %sign3A_199 = arith.constant 0 : i32
    %sign3A_200 = arith.cmpi sgt, %jit3A_187, %sign3A_199 : i32
    %sign3A_201 = arith.extui %sign3A_200 : i1 to i32
    %sign3A_202 = arith.constant 0 : i32
    %sign3A_203 = arith.cmpi slt, %jit3A_187, %sign3A_202 : i32
    %sign3A_204 = arith.extui %sign3A_203 : i1 to i32
    %sign3A_205 = arith.subi %sign3A_201, %sign3A_204 : i32
    %ne3A_206 = vector.broadcast %sign3A_205 : i32 to vector<8x256xi32>
    %ne3A_207 = arith.cmpi ne, %sign3A_198, %ne3A_206 : vector<8x256xi32>
    %rem3A_208 = vector.broadcast %jit3A_187 : i32 to vector<8x256xi32>
    %rem3A_209 = arith.remsi %iota3A_186, %rem3A_208 : vector<8x256xi32>
    %ne3A_210 = arith.constant 0 : i32
    %ne3A_211 = vector.broadcast %ne3A_210 : i32 to vector<8x256xi32>
    %ne3A_212 = arith.cmpi ne, %rem3A_209, %ne3A_211 : vector<8x256xi32>
    %and3A_213 = arith.andi %ne3A_207, %ne3A_212 : vector<8x256xi1>
    %sub3A_214 = arith.constant 1 : i32
    %sub3A_215 = vector.broadcast %sub3A_214 : i32 to vector<8x256xi32>
    %sub3A_216 = arith.subi %div3A_189, %sub3A_215 : vector<8x256xi32>
    %select_n3A_217 = arith.select %and3A_213, %sub3A_216, %div3A_189 : vector<8x256xi1>, vector<8x256xi32>
    %eq3A_218 = arith.cmpi eq, %select_n3A_217, %iota3A_185 : vector<8x256xi32>
    %convert_element_type3A_219 = arith.extui %eq3A_218 : vector<8x256xi1> to vector<8x256xi32>
    %convert_element_type3A_220 = arith.sitofp %convert_element_type3A_219 : vector<8x256xi32> to vector<8x256xf32>
    %convert_element_type3A_221 = arith.truncf %convert_element_type3A_220 : vector<8x256xf32> to vector<8x256xbf16>
    %dot_general3A_222 = arith.constant dense<0.000000e+00> : vector<1024x256xf32>
    %dot_general3A_223 = tpu.matmul %convert_element_type3A_178, %convert_element_type3A_221, %dot_general3A_222 {dimension_numbers = #tpu.dot_dimension_numbers<[1], [0], [0], [1], [0, 0, 1, 1], [], []>, transpose_lhs_hint = false} : vector<1024x8xbf16>, vector<8x256xbf16>, vector<1024x256xf32> -> vector<1024x256xf32>
    %mul3A_224 = arith.mulf %dot_general3A_223, %add3A_81 : vector<1024x256xf32>
    %dot_general3A_225 = arith.constant dense<0.000000e+00> : vector<1024x256xf32>
    %dot_general3A_226 = tpu.matmul %convert_element_type3A_180, %convert_element_type3A_221, %dot_general3A_225 {dimension_numbers = #tpu.dot_dimension_numbers<[1], [0], [0], [1], [0, 0, 1, 1], [], []>, transpose_lhs_hint = false} : vector<1024x8xbf16>, vector<8x256xbf16>, vector<1024x256xf32> -> vector<1024x256xf32>
    %mul3A_227 = arith.mulf %dot_general3A_226, %add3A_92 : vector<1024x256xf32>
    %dot_general3A_228 = arith.constant dense<0.000000e+00> : vector<1024x256xf32>
    %dot_general3A_229 = tpu.matmul %convert_element_type3A_182, %convert_element_type3A_221, %dot_general3A_228 {dimension_numbers = #tpu.dot_dimension_numbers<[1], [0], [0], [1], [0, 0, 1, 1], [], []>, transpose_lhs_hint = false} : vector<1024x8xbf16>, vector<8x256xbf16>, vector<1024x256xf32> -> vector<1024x256xf32>
    %mul3A_230 = arith.mulf %dot_general3A_229, %add3A_103 : vector<1024x256xf32>
    %dot_general3A_231 = arith.constant dense<0.000000e+00> : vector<1024x256xf32>
    %dot_general3A_232 = tpu.matmul %convert_element_type3A_184, %convert_element_type3A_221, %dot_general3A_231 {dimension_numbers = #tpu.dot_dimension_numbers<[1], [0], [0], [1], [0, 0, 1, 1], [], []>, transpose_lhs_hint = false} : vector<1024x8xbf16>, vector<8x256xbf16>, vector<1024x256xf32> -> vector<1024x256xf32>
    %mul3A_233 = arith.mulf %dot_general3A_232, %add3A_114 : vector<1024x256xf32>
    %add3A_234 = arith.addf %mul3A_224, %mul3A_227 : vector<1024x256xf32>
    %add3A_235 = arith.addf %add3A_234, %mul3A_230 : vector<1024x256xf32>
    %add3A_236 = arith.addf %add3A_235, %mul3A_233 : vector<1024x256xf32>
    %convert_element_type3A_237 = arith.truncf %add3A_236 : vector<1024x256xf32> to vector<1024x256xbf16>
    %get3A_238 = arith.constant 0 : index
    %get3A_239 = arith.constant 0 : index
    %get3A_240 = vector.load %arg11[%get3A_238, %get3A_239] : memref<256x256xbf16, #tpu.memory_space<vmem>>, vector<256x256xbf16>
    %dot_general3A_241 = arith.constant dense<0.000000e+00> : vector<1024x256xf32>
    %dot_general3A_242 = tpu.matmul %convert_element_type3A_237, %get3A_240, %dot_general3A_241 {dimension_numbers = #tpu.dot_dimension_numbers<[1], [0], [0], [1], [0, 0, 1, 1], [], []>, transpose_lhs_hint = false} : vector<1024x256xbf16>, vector<256x256xbf16>, vector<1024x256xf32> -> vector<1024x256xf32>
    %get3A_243 = arith.constant 0 : index
    %get3A_244 = arith.constant 0 : index
    %get3A_245 = vector.load %arg12[%get3A_243, %get3A_244] : memref<1x256xf32, #tpu.memory_space<vmem>>, vector<1x256xf32>
    %add3A_246 = vector.broadcast %get3A_245 : vector<1x256xf32> to vector<1024x256xf32>
    %add3A_247 = arith.addf %dot_general3A_242, %add3A_246 : vector<1024x256xf32>
    %add3A_248 = arith.addf %get3A_1, %add3A_247 : vector<1024x256xf32>
    %get3A_249 = arith.constant 0 : index
    %get3A_250 = arith.constant 0 : index
    %get3A_251 = vector.load %arg19[%get3A_249, %get3A_250] : memref<1x256xf32, #tpu.memory_space<vmem>>, vector<1x256xf32>
    %get3A_252 = arith.constant 0 : index
    %get3A_253 = arith.constant 0 : index
    %get3A_254 = vector.load %arg20[%get3A_252, %get3A_253] : memref<1x256xf32, #tpu.memory_space<vmem>>, vector<1x256xf32>
    %reduce_sum3A = arith.constant dense<0.000000e+00> : vector<1024xf32>
    %reduce_sum3A_255 = vector.multi_reduction <add>, %add3A_248, %reduce_sum3A [1] : vector<1024x256xf32> to vector<1024xf32>
    %broadcast_in_dim3A = vector.shape_cast %reduce_sum3A_255 : vector<1024xf32> to vector<1024x1xf32>
    %div3A_256 = arith.constant 2.560000e+02 : f32
    %div3A_257 = vector.broadcast %div3A_256 : f32 to vector<1024x1xf32>
    %div3A_258 = arith.divf %broadcast_in_dim3A, %div3A_257 : vector<1024x1xf32>
    %sub3A_259 = vector.broadcast %div3A_258 : vector<1024x1xf32> to vector<1024x256xf32>
    %sub3A_260 = arith.subf %add3A_248, %sub3A_259 : vector<1024x256xf32>
    %mul3A_261 = arith.mulf %sub3A_260, %sub3A_260 : vector<1024x256xf32>
    %reduce_sum3A_262 = arith.constant dense<0.000000e+00> : vector<1024xf32>
    %reduce_sum3A_263 = vector.multi_reduction <add>, %mul3A_261, %reduce_sum3A_262 [1] : vector<1024x256xf32> to vector<1024xf32>
    %broadcast_in_dim3A_264 = vector.shape_cast %reduce_sum3A_263 : vector<1024xf32> to vector<1024x1xf32>
    %div3A_265 = arith.constant 2.560000e+02 : f32
    %div3A_266 = vector.broadcast %div3A_265 : f32 to vector<1024x1xf32>
    %div3A_267 = arith.divf %broadcast_in_dim3A_264, %div3A_266 : vector<1024x1xf32>
    %add3A_268 = arith.constant 9.99999974E-6 : f32
    %add3A_269 = vector.broadcast %add3A_268 : f32 to vector<1024x1xf32>
    %add3A_270 = arith.addf %div3A_267, %add3A_269 : vector<1024x1xf32>
    %rsqrt3A = math.rsqrt %add3A_270 : vector<1024x1xf32>
    %mul3A_271 = vector.broadcast %rsqrt3A : vector<1024x1xf32> to vector<1024x256xf32>
    %mul3A_272 = arith.mulf %sub3A_260, %mul3A_271 : vector<1024x256xf32>
    %mul3A_273 = vector.broadcast %get3A_251 : vector<1x256xf32> to vector<1024x256xf32>
    %mul3A_274 = arith.mulf %mul3A_272, %mul3A_273 : vector<1024x256xf32>
    %add3A_275 = vector.broadcast %get3A_254 : vector<1x256xf32> to vector<1024x256xf32>
    %add3A_276 = arith.addf %mul3A_274, %add3A_275 : vector<1024x256xf32>
    %convert_element_type3A_277 = arith.truncf %add3A_276 : vector<1024x256xf32> to vector<1024x256xbf16>
    %get3A_278 = arith.constant 0 : index
    %get3A_279 = arith.constant 0 : index
    %get3A_280 = vector.load %arg13[%get3A_278, %get3A_279] : memref<256x1024xbf16, #tpu.memory_space<vmem>>, vector<256x1024xbf16>
    %dot_general3A_281 = arith.constant dense<0.000000e+00> : vector<1024x1024xf32>
    %dot_general3A_282 = tpu.matmul %convert_element_type3A_277, %get3A_280, %dot_general3A_281 {dimension_numbers = #tpu.dot_dimension_numbers<[1], [0], [0], [1], [0, 0, 1, 1], [], []>, transpose_lhs_hint = false} : vector<1024x256xbf16>, vector<256x1024xbf16>, vector<1024x1024xf32> -> vector<1024x1024xf32>
    %get3A_283 = arith.constant 0 : index
    %get3A_284 = arith.constant 0 : index
    %get3A_285 = vector.load %arg14[%get3A_283, %get3A_284] : memref<1x1024xbf16, #tpu.memory_space<vmem>>, vector<1x1024xbf16>
    %convert_element_type3A_286 = arith.extf %get3A_285 : vector<1x1024xbf16> to vector<1x1024xf32>
    %add3A_287 = vector.broadcast %convert_element_type3A_286 : vector<1x1024xf32> to vector<1024x1024xf32>
    %add3A_288 = arith.addf %dot_general3A_282, %add3A_287 : vector<1024x1024xf32>
    %max3A_289 = arith.constant 0.000000e+00 : f32
    %max3A_290 = vector.broadcast %max3A_289 : f32 to vector<1024x1024xf32>
    %max3A_291 = arith.maximumf %add3A_288, %max3A_290 : vector<1024x1024xf32>
    %convert_element_type3A_292 = arith.truncf %max3A_291 : vector<1024x1024xf32> to vector<1024x1024xbf16>
    %get3A_293 = arith.constant 0 : index
    %get3A_294 = arith.constant 0 : index
    %get3A_295 = vector.load %arg15[%get3A_293, %get3A_294] : memref<1024x256xbf16, #tpu.memory_space<vmem>>, vector<1024x256xbf16>
    %dot_general3A_296 = arith.constant dense<0.000000e+00> : vector<1024x256xf32>
    %dot_general3A_297 = tpu.matmul %convert_element_type3A_292, %get3A_295, %dot_general3A_296 {dimension_numbers = #tpu.dot_dimension_numbers<[1], [0], [0], [1], [0, 0, 1, 1], [], []>, transpose_lhs_hint = false} : vector<1024x1024xbf16>, vector<1024x256xbf16>, vector<1024x256xf32> -> vector<1024x256xf32>
    %get3A_298 = arith.constant 0 : index
    %get3A_299 = arith.constant 0 : index
    %get3A_300 = vector.load %arg16[%get3A_298, %get3A_299] : memref<1x256xf32, #tpu.memory_space<vmem>>, vector<1x256xf32>
    %add3A_301 = vector.broadcast %get3A_300 : vector<1x256xf32> to vector<1024x256xf32>
    %add3A_302 = arith.addf %dot_general3A_297, %add3A_301 : vector<1024x256xf32>
    %add3A_303 = arith.addf %add3A_276, %add3A_302 : vector<1024x256xf32>
    %get3A_304 = arith.constant 0 : index
    %get3A_305 = arith.constant 0 : index
    %get3A_306 = vector.load %arg21[%get3A_304, %get3A_305] : memref<1x256xf32, #tpu.memory_space<vmem>>, vector<1x256xf32>
    %get3A_307 = arith.constant 0 : index
    %get3A_308 = arith.constant 0 : index
    %get3A_309 = vector.load %arg22[%get3A_307, %get3A_308] : memref<1x256xf32, #tpu.memory_space<vmem>>, vector<1x256xf32>
    %reduce_sum3A_310 = arith.constant dense<0.000000e+00> : vector<1024xf32>
    %reduce_sum3A_311 = vector.multi_reduction <add>, %add3A_303, %reduce_sum3A_310 [1] : vector<1024x256xf32> to vector<1024xf32>
    %broadcast_in_dim3A_312 = vector.shape_cast %reduce_sum3A_311 : vector<1024xf32> to vector<1024x1xf32>
    %div3A_313 = arith.constant 2.560000e+02 : f32
    %div3A_314 = vector.broadcast %div3A_313 : f32 to vector<1024x1xf32>
    %div3A_315 = arith.divf %broadcast_in_dim3A_312, %div3A_314 : vector<1024x1xf32>
    %sub3A_316 = vector.broadcast %div3A_315 : vector<1024x1xf32> to vector<1024x256xf32>
    %sub3A_317 = arith.subf %add3A_303, %sub3A_316 : vector<1024x256xf32>
    %mul3A_318 = arith.mulf %sub3A_317, %sub3A_317 : vector<1024x256xf32>
    %reduce_sum3A_319 = arith.constant dense<0.000000e+00> : vector<1024xf32>
    %reduce_sum3A_320 = vector.multi_reduction <add>, %mul3A_318, %reduce_sum3A_319 [1] : vector<1024x256xf32> to vector<1024xf32>
    %broadcast_in_dim3A_321 = vector.shape_cast %reduce_sum3A_320 : vector<1024xf32> to vector<1024x1xf32>
    %div3A_322 = arith.constant 2.560000e+02 : f32
    %div3A_323 = vector.broadcast %div3A_322 : f32 to vector<1024x1xf32>
    %div3A_324 = arith.divf %broadcast_in_dim3A_321, %div3A_323 : vector<1024x1xf32>
    %add3A_325 = arith.constant 9.99999974E-6 : f32
    %add3A_326 = vector.broadcast %add3A_325 : f32 to vector<1024x1xf32>
    %add3A_327 = arith.addf %div3A_324, %add3A_326 : vector<1024x1xf32>
    %rsqrt3A_328 = math.rsqrt %add3A_327 : vector<1024x1xf32>
    %mul3A_329 = vector.broadcast %rsqrt3A_328 : vector<1024x1xf32> to vector<1024x256xf32>
    %mul3A_330 = arith.mulf %sub3A_317, %mul3A_329 : vector<1024x256xf32>
    %mul3A_331 = vector.broadcast %get3A_306 : vector<1x256xf32> to vector<1024x256xf32>
    %mul3A_332 = arith.mulf %mul3A_330, %mul3A_331 : vector<1024x256xf32>
    %add3A_333 = vector.broadcast %get3A_309 : vector<1x256xf32> to vector<1024x256xf32>
    %add3A_334 = arith.addf %mul3A_332, %add3A_333 : vector<1024x256xf32>
    %get3A_335 = arith.constant 0 : index
    %get3A_336 = arith.constant 0 : index
    %get3A_337 = vector.load %arg4[%get3A_335, %get3A_336] : memref<1024x1xi32, #tpu.memory_space<vmem>>, vector<1024x1xi32>
    %eq3A_338 = arith.constant 0 : i32
    %eq3A_339 = vector.broadcast %eq3A_338 : i32 to vector<1024x1xi32>
    %eq3A_340 = arith.cmpi eq, %get3A_337, %eq3A_339 : vector<1024x1xi32>
    %get3A_341 = arith.constant 0 : index
    %get3A_342 = arith.constant 0 : index
    %get3A_343 = vector.load %arg3[%get3A_341, %get3A_342] : memref<1024x1xf32, #tpu.memory_space<vmem>>, vector<1024x1xf32>
    %gt3A = arith.constant 0.000000e+00 : f32
    %gt3A_344 = vector.broadcast %gt3A : f32 to vector<1024x1xf32>
    %gt3A_345 = arith.cmpf ogt, %get3A_343, %gt3A_344 : vector<1024x1xf32>
    %and3A_346 = arith.andi %eq3A_340, %gt3A_345 : vector<1024x1xi1>
    %convert_element_type3A_347 = arith.truncf %add3A_334 : vector<1024x256xf32> to vector<1024x256xbf16>
    %get3A_348 = arith.constant 0 : index
    %get3A_349 = arith.constant 0 : index
    %get3A_350 = vector.load %arg17[%get3A_348, %get3A_349] : memref<256x256xbf16, #tpu.memory_space<vmem>>, vector<256x256xbf16>
    %dot_general3A_351 = arith.constant dense<0.000000e+00> : vector<1024x256xf32>
    %dot_general3A_352 = tpu.matmul %convert_element_type3A_347, %get3A_350, %dot_general3A_351 {dimension_numbers = #tpu.dot_dimension_numbers<[1], [0], [0], [1], [0, 0, 1, 1], [], []>, transpose_lhs_hint = false} : vector<1024x256xbf16>, vector<256x256xbf16>, vector<1024x256xf32> -> vector<1024x256xf32>
    %get3A_353 = arith.constant 0 : index
    %get3A_354 = arith.constant 0 : index
    %get3A_355 = vector.load %arg18[%get3A_353, %get3A_354] : memref<1x256xf32, #tpu.memory_space<vmem>>, vector<1x256xf32>
    %add3A_356 = vector.broadcast %get3A_355 : vector<1x256xf32> to vector<1024x256xf32>
    %add3A_357 = arith.addf %dot_general3A_352, %add3A_356 : vector<1024x256xf32>
    %swap3A = arith.constant 0 : index
    %swap3A_358 = arith.constant 0 : index
    %swap3A_359 = vector.load %arg23[%swap3A, %swap3A_358] : memref<1024x1280xf32, #tpu.memory_space<vmem>>, vector<1024x256xf32>
    tpu.vector_store %arg23[%swap3A, %swap3A_358], %add3A_334 {strides = array<i32>} : memref<1024x1280xf32, #tpu.memory_space<vmem>>, vector<1024x256xf32>,
    %broadcast_in_dim3A_360 = vector.shape_cast %and3A_346 : vector<1024x1xi1> to vector<1024x1xi1>
    %broadcast_in_dim3A_361 = vector.broadcast %broadcast_in_dim3A_360 : vector<1024x1xi1> to vector<1024x256xi1>
    %select_n3A_362 = arith.select %broadcast_in_dim3A_361, %slice3A_6, %slice3A : vector<1024x256xi1>, vector<1024x256xf32>
    %swap3A_363 = arith.constant 0 : index
    %swap3A_364 = arith.constant 256 : index
    %swap3A_365 = vector.load %arg23[%swap3A_363, %swap3A_364] : memref<1024x1280xf32, #tpu.memory_space<vmem>>, vector<1024x256xf32>
    tpu.vector_store %arg23[%swap3A_363, %swap3A_364], %select_n3A_362 {strides = array<i32>} : memref<1024x1280xf32, #tpu.memory_space<vmem>>, vector<1024x256xf32>,
    %broadcast_in_dim3A_366 = vector.shape_cast %and3A_346 : vector<1024x1xi1> to vector<1024x1xi1>
    %broadcast_in_dim3A_367 = vector.broadcast %broadcast_in_dim3A_366 : vector<1024x1xi1> to vector<1024x256xi1>
    %select_n3A_368 = arith.select %broadcast_in_dim3A_367, %slice3A_7, %slice3A_6 : vector<1024x256xi1>, vector<1024x256xf32>
    %swap3A_369 = arith.constant 0 : index
    %swap3A_370 = arith.constant 512 : index
    %swap3A_371 = vector.load %arg23[%swap3A_369, %swap3A_370] : memref<1024x1280xf32, #tpu.memory_space<vmem>>, vector<1024x256xf32>
    tpu.vector_store %arg23[%swap3A_369, %swap3A_370], %select_n3A_368 {strides = array<i32>} : memref<1024x1280xf32, #tpu.memory_space<vmem>>, vector<1024x256xf32>,
    %broadcast_in_dim3A_372 = vector.shape_cast %and3A_346 : vector<1024x1xi1> to vector<1024x1xi1>
    %broadcast_in_dim3A_373 = vector.broadcast %broadcast_in_dim3A_372 : vector<1024x1xi1> to vector<1024x256xi1>
    %select_n3A_374 = arith.select %broadcast_in_dim3A_373, %slice3A_8, %slice3A_7 : vector<1024x256xi1>, vector<1024x256xf32>
    %swap3A_375 = arith.constant 0 : index
    %swap3A_376 = arith.constant 768 : index
    %swap3A_377 = vector.load %arg23[%swap3A_375, %swap3A_376] : memref<1024x1280xf32, #tpu.memory_space<vmem>>, vector<1024x256xf32>
    tpu.vector_store %arg23[%swap3A_375, %swap3A_376], %select_n3A_374 {strides = array<i32>} : memref<1024x1280xf32, #tpu.memory_space<vmem>>, vector<1024x256xf32>,
    %broadcast_in_dim3A_378 = vector.shape_cast %and3A_346 : vector<1024x1xi1> to vector<1024x1xi1>
    %broadcast_in_dim3A_379 = vector.broadcast %broadcast_in_dim3A_378 : vector<1024x1xi1> to vector<1024x256xi1>
    %select_n3A_380 = arith.select %broadcast_in_dim3A_379, %add3A_357, %slice3A_8 : vector<1024x256xi1>, vector<1024x256xf32>
    %swap3A_381 = arith.constant 0 : index
    %swap3A_382 = arith.constant 1024 : index
    %swap3A_383 = vector.load %arg23[%swap3A_381, %swap3A_382] : memref<1024x1280xf32, #tpu.memory_space<vmem>>, vector<1024x256xf32>
    tpu.vector_store %arg23[%swap3A_381, %swap3A_382], %select_n3A_380 {strides = array<i32>} : memref<1024x1280xf32, #tpu.memory_space<vmem>>, vector<1024x256xf32>,
    return
  }
  func.func @transform_0(%arg0: i32) -> (i32, i32) {
    %c0_i32 = arith.constant 0 : i32
    %c0_i32_0 = arith.constant 0 : i32
    return %arg0, %c0_i32 : i32, i32
  }
  func.func @transform_1(%arg0: i32) -> (i32, i32, i32) {
    %c0_i32 = arith.constant 0 : i32
    %c0_i32_0 = arith.constant 0 : i32
    %c0_i32_1 = arith.constant 0 : i32
    return %arg0, %c0_i32, %c0_i32_0 : i32, i32, i32
  }
  func.func @transform_2(%arg0: i32) -> (i32, i32) {
    %c0_i32 = arith.constant 0 : i32
    %c0_i32_0 = arith.constant 0 : i32
    return %arg0, %c0_i32 : i32, i32
  }
  func.func @transform_3(%arg0: i32) -> (i32, i32) {
    %c0_i32 = arith.constant 0 : i32
    %c0_i32_0 = arith.constant 0 : i32
    return %arg0, %c0_i32 : i32, i32
  }
  func.func @transform_4(%arg0: i32) -> (i32, i32) {
    %c0_i32 = arith.constant 0 : i32
    %c0_i32_0 = arith.constant 0 : i32
    %c0_i32_1 = arith.constant 0 : i32
    return %c0_i32, %c0_i32_0 : i32, i32
  }
  func.func @transform_5(%arg0: i32) -> (i32, i32) {
    %c0_i32 = arith.constant 0 : i32
    %c0_i32_0 = arith.constant 0 : i32
    %c0_i32_1 = arith.constant 0 : i32
    return %c0_i32, %c0_i32_0 : i32, i32
  }
  func.func @transform_6(%arg0: i32) -> (i32, i32) {
    %c0_i32 = arith.constant 0 : i32
    %c0_i32_0 = arith.constant 0 : i32
    %c0_i32_1 = arith.constant 0 : i32
    return %c0_i32, %c0_i32_0 : i32, i32
  }
  func.func @transform_7(%arg0: i32) -> (i32, i32) {
    %c0_i32 = arith.constant 0 : i32
    %c0_i32_0 = arith.constant 0 : i32
    %c0_i32_1 = arith.constant 0 : i32
    return %c0_i32, %c0_i32_0 : i32, i32
  }
  func.func @transform_8(%arg0: i32) -> (i32, i32) {
    %c0_i32 = arith.constant 0 : i32
    %c0_i32_0 = arith.constant 0 : i32
    %c0_i32_1 = arith.constant 0 : i32
    return %c0_i32, %c0_i32_0 : i32, i32
  }
  func.func @transform_9(%arg0: i32) -> (i32, i32) {
    %c0_i32 = arith.constant 0 : i32
    %c0_i32_0 = arith.constant 0 : i32
    %c0_i32_1 = arith.constant 0 : i32
    return %c0_i32, %c0_i32_0 : i32, i32
  }
  func.func @transform_10(%arg0: i32) -> (i32, i32) {
    %c0_i32 = arith.constant 0 : i32
    %c0_i32_0 = arith.constant 0 : i32
    %c0_i32_1 = arith.constant 0 : i32
    return %c0_i32, %c0_i32_0 : i32, i32
  }
  func.func @transform_11(%arg0: i32) -> (i32, i32) {
    %c0_i32 = arith.constant 0 : i32
    %c0_i32_0 = arith.constant 0 : i32
    %c0_i32_1 = arith.constant 0 : i32
    return %c0_i32, %c0_i32_0 : i32, i32
  }
  func.func @transform_12(%arg0: i32) -> (i32, i32) {
    %c0_i32 = arith.constant 0 : i32
    %c0_i32_0 = arith.constant 0 : i32
    %c0_i32_1 = arith.constant 0 : i32
    return %c0_i32, %c0_i32_0 : i32, i32
  }
  func.func @transform_13(%arg0: i32) -> (i32, i32) {
    %c0_i32 = arith.constant 0 : i32
    %c0_i32_0 = arith.constant 0 : i32
    %c0_i32_1 = arith.constant 0 : i32
    return %c0_i32, %c0_i32_0 : i32, i32
  }
  func.func @transform_14(%arg0: i32) -> (i32, i32) {
    %c0_i32 = arith.constant 0 : i32
    %c0_i32_0 = arith.constant 0 : i32
    %c0_i32_1 = arith.constant 0 : i32
    return %c0_i32, %c0_i32_0 : i32, i32
  }
  func.func @transform_15(%arg0: i32) -> (i32, i32) {
    %c0_i32 = arith.constant 0 : i32
    %c0_i32_0 = arith.constant 0 : i32
    %c0_i32_1 = arith.constant 0 : i32
    return %c0_i32, %c0_i32_0 : i32, i32
  }
  func.func @transform_16(%arg0: i32) -> (i32, i32) {
    %c0_i32 = arith.constant 0 : i32
    %c0_i32_0 = arith.constant 0 : i32
    %c0_i32_1 = arith.constant 0 : i32
    return %c0_i32, %c0_i32_0 : i32, i32
  }
  func.func @transform_17(%arg0: i32) -> (i32, i32) {
    %c0_i32 = arith.constant 0 : i32
    %c0_i32_0 = arith.constant 0 : i32
    %c0_i32_1 = arith.constant 0 : i32
    return %c0_i32, %c0_i32_0 : i32, i32
  }
  func.func @transform_18(%arg0: i32) -> (i32, i32) {
    %c0_i32 = arith.constant 0 : i32
    %c0_i32_0 = arith.constant 0 : i32
    %c0_i32_1 = arith.constant 0 : i32
    return %c0_i32, %c0_i32_0 : i32, i32
  }
  func.func @transform_19(%arg0: i32) -> (i32, i32) {
    %c0_i32 = arith.constant 0 : i32
    %c0_i32_0 = arith.constant 0 : i32
    %c0_i32_1 = arith.constant 0 : i32
    return %c0_i32, %c0_i32_0 : i32, i32
  }
  func.func @transform_20(%arg0: i32) -> (i32, i32) {
    %c0_i32 = arith.constant 0 : i32
    %c0_i32_0 = arith.constant 0 : i32
    %c0_i32_1 = arith.constant 0 : i32
    return %c0_i32, %c0_i32_0 : i32, i32
  }
  func.func @transform_21(%arg0: i32) -> (i32, i32) {
    %c0_i32 = arith.constant 0 : i32
    %c0_i32_0 = arith.constant 0 : i32
    %c0_i32_1 = arith.constant 0 : i32
    return %c0_i32, %c0_i32_0 : i32, i32
  }
  func.func @transform_22(%arg0: i32) -> (i32, i32) {
    %c0_i32 = arith.constant 0 : i32
    %c0_i32_0 = arith.constant 0 : i32
    return %arg0, %c0_i32 : i32, i32
  }
}

</mosaic_0001>

<sc_bundles>
// kernel: sparse-core-data-format-call.cloned.1.call-start
scs
called_computation_lowered:
.L_overlay_start_0:
0x0: {  	s2 =	sld [smem:$0x3FD9]  }
0x1: {  	s3 =	sld [smem:$0x3FFE];
	_ =	sdelay $0x1  }
0x2: {  	s1 =	srdreg.scid  }
0x3: {  	s0 =	sand.u32 $0x1, s1  }
0x4: {  	s18 =	sshll.u32 s0, $0xA;
	s2 =	sadd.s32 s3, s2  }
0x5: {  	s2 =	sadd.s32 s2, s18  }
0x6: {  	[smem:$0x3FB6] =	sst s2  }
0x7: {  	_ = 	snop  }
0x8: {  	s2 =	sld [smem:$0x3FD0];
	(tm) =	ssettm $0x1  }
0x9: {  	s19 =	sld [smem:$0x3FFB];
	_ =	sdelay $0x3  }
0xa: {  	_ =	strace s19  }
0xb: {  	s3 =	sld [smem:$0x3FFC];
	_ =	sdelay $0x3  }
0xc: {  	_ =	strace s3  }
0xd: {  	s3 =	sld [smem:$0x3FFD];
	_ =	sdelay $0x3  }
0xe: {  	_ =	strace s3  }
0xf: {  	_ =	strace $0x8FFFFFFF  }
0x10: {  	s20 =	sld [smem:$0x3FDB];
	_ =	sdelay $0x1  }
0x11: {  	s4 =	simm.s32 $_scs_section_size  }
0x12: {  	s5 =	simm.s32 $_size__tile_overlayer_lowered;
	s6 =	simm.s32 $_tile_overlayer_lowered  }
0x13: {  	s23 =	simm.s32 $0x1BFF;
	s22 =	sshll.u32 s6, $0x1;
	s3 =	sadd.s32 s4, s20  }
0x14: {  	s7 =	simm.s32 $0x0;
	s21 =	sshll.u32 s5, $0x1;
	s5 =	sadd.s32 s22, s3  }
0x15: {  	[timem:s7], [sflag:s23] =	dma.local [hbm:s5], s21  }
0x16: {  	_ =	swait.ge [sflag:s23], s21  }
0x17: {  	s4 =	ssub.s32 $0x0, s21;
	[sflag:s23] =	ssyncset.done $0x0  }
0x18: {  	[sflag:s23] =	ssyncadd.s32 s4;
	_ =	sdelay $0x1  }
0x19: {  	s24 =	simm.s32 $0x1B8B  }
0x1a: {  	_ =	swait.ge [sflag:s24], $0x1  }
0x1b: {  	[sflag:s24] =	ssyncset.done $0x0  }
0x1c: {  	s26 =	simm.s32 $0x1B8E;
	s25 =	sld [smem:$0x3FFE];
	[sflag:s24] =	ssyncadd.s32 $0xFFFFFFFF  }
0x1d: {  	s27 =	simm.s32 $execute0_lowered;
	[smem:$0x3FD2] =	sst s26  }
0x1e: {  	s5 =	sshll.u32 s27, $0x1;
	_ =	strace $0x80000046;
	[dreg:$0x1] =	wrdreg $0xFFFFFFFF  }
0x1f: {  	s28 =	simm.s32 $_size_execute0_lowered;
	s3 =	sadd.s32 s3, s5;
	[dreg:$0x0] =	wrdreg $0x0  }
0x20: {  	s5 =	sshll.u32 s28, $0x1;
	[dreg:$0x2] =	wrdreg s3  }
0x21: {  	[dreg:$0x3] =	wrdreg s5  }
0x22: {  	[dreg:$0x4] =	wrdreg $0xC0  }
0x23: {  	_ =	task [dreg:s7], $0x5FFFF  }
0x24: {  	[dreg:$0x1] =	wrdreg $0xFFFFFFFF  }
0x25: {  	[dreg:$0x0] =	wrdreg $0x60  }
0x26: {  	[dreg:$0x2] =	wrdreg s25  }
0x27: {  	[dreg:$0x3] =	wrdreg s2  }
0x28: {  	[dreg:$0x4] =	wrdreg $0x9  }
0x29: {  	_ =	task.clear_ibuf [dreg:s7], $0x5FFFF;
	_ =	strace $0x90000046  }
0x2a: {  	s29 =	simm.s32 $0x9;
	_ =	strace $0x80000048  }
0x2b: {  	_ =	swait.ge [sflag:s29], $0x1  }
0x2c: {  	[sflag:s29] =	ssyncadd.s32 $0xFFFFFFFF  }
0x2d: {  	_ =	strace $0x90000048  }
0x2e: {  	_ =	sfence  }
0x2f: {  	s30 =	sld [smem:$0x0];
	_ =	sdelay $0x2  }
0x30: {  	s31 =	sshll.u32 s1, $0xD;
	s1 =	sshrl.u32 s1, $0x2  }
0x31: {  	s3 =	sand.u32 $0x4000, s31;
	s1 =	sadd.s32 s1, s30  }
0x32: {  	s0 =	sor.u32 s3, s0;
	s1 =	sshll.u32 s1, $0x11  }
0x33: {  	s0 =	sor.u32 s1, s0  }
0x34: {  	s0 =	sadd.s32 $0x8F2B, s0  }
0x35: {  	[sflag:s0] =	ssyncadd.remote.s32 $0x1  }
0x36: {  	_ =	sfence.sel $0xFFFF  }
0x37: {  	[dreg:$0x0] =	wrdreg $0xFFFFFFFF;
	(pc) =	sbr.abs _section_cstart, $3  }
0x38: {  	[dreg:$0x1] =	wrdreg $0xFFFFFFFF  }
0x39: {  	_ =	task.clear_ibuf [dreg:s7], $0x2FFFF;
	_ =	strace $0x9FFFFFFF  }
0x3a: {  	(tm) =	ssettm $0x7FFFFFFF  }
0x3b: {  	_ =	shalt  }
tec
execute0_lowered:
.L_overlay_start_1:
0x0: {  	(tag) =	ssettag $0x1  }
0x1: {  	s0 =	stileid.u32;
	s1 =	srdreg.scid  }
0x2: {  	s2 =	sshll.u32 s0, $0x6;
	s1 =	sshll.u32 s1, $0xA  }
0x3: {  	s3 =	sshll.u32 s0, $0x7;
	s2 =	sor.u32 s2, s1  }
0x4: {  	s7 =	rddreg [dreg:$0x0];
	s1 =	sand.u32 $0x80, s3;
	s2 =	sand.u32 $0x780, s2  }
0x5: {  	s8 =	simm.s32 $0x2;
	s3 =	ssub.s32 $0x100, s1;
	s4 =	ssub.s32 $0x8000, s2  }
0x6: {  	s16 =	simm.s32 $0x0;
	s5 =	sshrl.u32 s3, $0x8;
	s6 =	sand.u32 $0x780, s4  }
0x7: {  	s3 =	sshrl.u32 s3, $0x7;
	p0 =	sne.s32 s6, $0x0;
	s6 =	simm.s32 $0x1  }
0x8: {  	s3 =	sand.u32 $0x1, s3;
	s4 =	sshrl.u32 s4, $0xB;
	s6 =	simm.s32 @!p0 $0x0  }
0x9: {  	s9 =	simm.s32 $0x800;
	s3 =	sadd.s32 s5, s3;
	s31 =	sadd.s32 s6, s4  }
0xa: {  	s14 =	simm.s32 $0x0;
	s15 =	simm.s32 $0x0;
	s6 =	smul.u32 s31, s3  }
.Ltmp0:
0xb: {  	s12 =	simm.s32 $0x0;
	s13 =	simm.s32 $0x0;
	(pc) =	sbr.rel .LBB1_1-.Ltmp0, $4  }
0xc: {  	s7 =	sadd.s32 $0x1600, s7;
	s5 =	simm.s32 $0x1;
	s4 =	rddreg [dreg:$0x1]  }
0xd: {  	s3 =	rddreg [dreg:$0x2];
	_ =	strace $0x80000047;
	s6 =	smul.u32 $0x5, s6  }
0xe: {  	s11 =	smov.u32 s1;
	s10 =	smov.u32 s2;
	[sflag:s5] =	ssyncpa.u1 $0x0  }
0xf: {  	p0 =	por $0x0, $0x0;
	[sflag:s8] =	ssyncpa.u1 $0x0;
	s8 =	sadd.s32 $0x1, s6  }
.LBB1_4:
0x10: {  	v5 =	vld [tilespmem:s20+$0xFFFFFFD0]  }
0x11: {  	[tilespmem:s18+$0x2040 ss:$0x81] =	vst.msk $0xffff, v1;
	v58 =	vld [tilespmem:s20+$0xFFFFFFE0]  }
0x12: {  	[tilespmem:s18+$0x2850 ss:$0x81] =	vst.msk $0xffff, v2;
	v59 =	vld [tilespmem:s20+$0xFFFFFFF0]  }
0x13: {  	s21 =	sshra.s32 s21, $0x2;
	[tilespmem:s18+$0x3060 ss:$0x81] =	vst.msk $0xffff, v3;
	v60 =	vld [tilespmem:s20+$0x0]  }
0x14: {  	v61 =	vld [tilespmem:s20+$0x10];
	[tilespmem:s18+$0x0 ss:$0x81] =	vst.msk $0xffff, v0;
	s19 =	sadd.s32 s21, s19  }
0x15: {  	s25 =	sshll.u32 s16, $0x8;
	v62 =	vld [tilespmem:s20+$0x20];
	[tilespmem:s19+$0x3870 ss:$0x81] =	vst.msk $0xffff, v4  }
0x16: {  	s22 =	sshll.u32 s14, $0x3;
	v63 =	vld [tilespmem:s20+$0xFFFFFFC0];
	s30 =	sand.u32 $0x78, s14;
	s15 =	sshll.u32 s15, $0x14;
	[tilespmem:s19+$0x810 ss:$0x81] =	vst.msk $0xffff, v5  }
0x17: {  	s28 =	sshll.u32 s16, $0x7;
	s26 =	sand.u32 $0x7FF800, s25;
	s27 =	sand.u32 $0x7FFC00, s22;
	[tilespmem:s19+$0x1020 ss:$0x81] =	vst.msk $0xffff, v58  }
0x18: {  	s29 =	sand.u32 $0x300, s28;
	s16 =	sand.u32 $0x80, s28;
	s18 =	sadd.s32 s27, s26;
	[tilespmem:s19+$0x1830 ss:$0x81] =	vst.msk $0xffff, v59  }
0x19: {  	s31 =	sand.u32 $0x7, s14;
	s16 =	sor.u32 s30, s16;
	s18 =	sor.u32 s29, s18;
	[tilespmem:s19+$0x2040 ss:$0x81] =	vst.msk $0xffff, v60  }
0x1a: {  	s15 =	sadd.s32 s4, s15;
	s16 =	sshrl.u32 s16, $0x3;
	s18 =	sshrl.u32 s18, $0x3;
	[tilespmem:s19+$0x2850 ss:$0x81] =	vst.msk $0xffff, v61  }
0x1b: {  	s14 =	sshll.u32 s31, $0x12;
	s15 =	sadd.s32 s16, s15;
	[tilespmem:s19+$0x3060 ss:$0x81] =	vst.msk $0xffff, v62;
	s18 =	sand.u32 $0xFFFE0, s18  }
0x1c: {  	s14 =	sor.u32 $0x400, s14;
	[tilespmem:s19+$0x0 ss:$0x81] =	vst.msk $0xffff, v63;
	s15 =	sadd.s32 s18, s15  }
0x1d: {  	[hbm4b:s15+s14] =	stream.strided.scatter [tilespmem:s17], [sflag:$0x2], $0x4000, s9, s14, $0x20;
	[tilespmem:$0x10100] =	vst v63  }
.LBB1_5:
0x1e: {  	s17 =	sadd.s32 $0x800, s10  }
0x1f: {  	s14 =	sadd.s32 $0x100, s11;
	s18 =	smov.u32 s11;
	p2 =	sgt.s32 s17, $0x7FFF  }
0x20: {  	s18 =	smov.u32 @p2 s14  }
0x21: {  	s14 =	simm.s32 $0x1;
	p3 =	sgt.s32 s18, $0xFF  }
0x22: {  	s14 =	simm.s32 @!p3 $0x0  }
0x23: {  	s20 =	sadd.s32 s14, s12  }
0x24: {  	s17 =	smov.u32 @p2 s2;
	p2 =	sgt.s32 s20, $0x4  }
0x25: {  	p1 =	slt.u32 s13, $0x2;
	s20 =	simm.s32 @p2 $0x0;
	p2 =	sne.s32 s13, s8  }
.Ltmp1:
0x26: {  	s19 =	simm.s32 @!p1 $0x2;
	(pc) =	sbr.rel @!p2 .LBB1_6-.Ltmp1, $4  }
0x27: {  	s16 =	smov.u32 s10;
	s15 =	smov.u32 s12;
	_ =	swait.ge @!p1 [sflag:s19], $0x4000  }
0x28: {  	p0 =	por !p0, !p0;
	[sflag:s19] =	ssyncset.done @!p1 $0x0;
	s10 =	smov.u32 s17  }
0x29: {  	s18 =	smov.u32 @p3 s1;
	[sflag:s19] =	ssyncadd.s32 @!p1 $0xFFFFC000;
	s14 =	smov.u32 s11  }
0x2a: {  	s11 =	smov.u32 s18;
	s13 =	sadd.s32 $0x1, s13;
	s12 =	smov.u32 s20  }
.LBB1_1:
0x2b: {  	p1 =	sge.u32 s13, s6;
	s31 =	sadd.s32 $0xFFFFFFFF, s13  }
0x2c: {  	s17 =	sxor.u32 @!p1 $0xFFFFFFFF, s13;
	s18 =	sand.u32 @!p1 $0x78, s10;
	s19 =	sshll.u32 @!p1 s11, $0xF  }
0x2d: {  	s20 =	sshll.u32 @!p1 s11, $0x7;
	s21 =	sshll.u32 @!p1 s10, $0x3;
	s17 =	sshll.u32 @!p1 s17, $0xE  }
0x2e: {  	s19 =	sand.u32 @!p1 $0x7C0000, s19;
	s20 =	sand.u32 @!p1 $0x380, s20;
	s17 =	sand.u32 @!p1 $0x4000, s17  }
0x2f: {  	s19 =	sadd.s32 @!p1 s19, s21;
	s21 =	sand.u32 @!p1 $0x7C00, s21;
	s18 =	sor.u32 @!p1 s20, s18  }
0x30: {  	s20 =	sshll.u32 @!p1 s12, $0x14;
	s18 =	sor.u32 @!p1 s21, s18;
	s19 =	sshrl.u32 @!p1 s19, $0x3  }
0x31: {  	s20 =	sadd.s32 @!p1 s7, s20;
	s21 =	sand.u32 @!p1 $0x7, s10;
	s19 =	sand.u32 @!p1 $0xFF000, s19  }
0x32: {  	s18 =	sshrl.u32 @!p1 s18, $0x3;
	s19 =	sadd.s32 @!p1 s19, s20;
	s20 =	sshll.u32 @!p1 s21, $0x12  }
0x33: {  	s18 =	sadd.s32 @!p1 s18, s19;
	s19 =	sor.u32 @!p1 $0x400, s20;
	s20 =	simm.s32 @!p1 $0x40000  }
0x34: {  	[tilespmem:s17], [sflag:$0x1] =	stream.strided.gather @!p1 [hbm4b:s18+s19], $0x4000, s20, s19, $0x38;
	[tilespmem:$0x10100] =	vst v63  }
0x35: {  	p1 =	sge.u32 s31, s6  }
.Ltmp2:
0x36: {  	_ = 	snop;
	(pc) =	sbr.rel @p1 .LBB1_5-.Ltmp2, $1  }
0x37: {  	_ =	sdelay $0x3  }
0x38: {  	s17 =	simm.s32 $0x1  }
0x39: {  	_ =	swait.ge [sflag:s5], $0x4000;
	s17 =	simm.s32 @!p0 $0x0  }
0x3a: {  	[sflag:s5] =	ssyncset.done $0x0;
	s18 =	sshll.u32 s17, $0xE  }
0x3b: {  	[sflag:s5] =	ssyncadd.s32 $0xFFFFC000;
	s20 =	sor.u32 $0x40, s18  }
0x3c: {  	s17 =	smul.u32 $0x10200, s17;
	v0 =	vld [tilespmem:s20+$0x30]  }
0x3d: {  	v3 =	vld [tilespmem:s20+$0xFFFFFFD0]  }
0x3e: {  	s17 =	sshrl.u32 s17, $0x2;
	v4 =	vld [tilespmem:s20+$0xFFFFFFE0]  }
0x3f: {  	v5 =	vld [tilespmem:s20+$0xFFFFFFF0];
	s19 =	sor.u32 $0x8000, s17  }
0x40: {  	s31 =	sand.u32 $0x1, s13;
	v1 =	vld [tilespmem:s20+$0x0];
	s18 =	sadd.s32 $0x0, s19  }
0x41: {  	v2 =	vld [tilespmem:s20+$0x10];
	s17 =	smul.u32 $0x10200, s31;
	[tilespmem:s18+$0x3870 ss:$0x81] =	vst.msk $0xffff, v0  }
0x42: {  	[tilespmem:s18+$0x810 ss:$0x81] =	vst.msk $0xffff, v3;
	v3 =	vld [tilespmem:s20+$0x20]  }
0x43: {  	s17 =	sshrl.u32 s17, $0x2;
	v0 =	vld [tilespmem:s20+$0xFFFFFFC0];
	[tilespmem:s18+$0x1020 ss:$0x81] =	vst.msk $0xffff, v4;
	s20 =	sadd.s32 $0x80, s20  }
0x44: {  	s21 =	simm.s32 $0x4;
	s22 =	simm.s32 $0x8;
	s17 =	sor.u32 $0x8000, s17;
	[tilespmem:s18+$0x1830 ss:$0x81] =	vst.msk $0xffff, v5;
	v4 =	vld [tilespmem:s20+$0x30]  }
.LBB1_3:
0x45: {  	p1 =	sne.s32 s22, $0x1FC;
	v5 =	vld [tilespmem:s20+$0xFFFFFFD0];
	[tilespmem:s18+$0x2040 ss:$0x81] =	vst.msk $0xffff, v1  }
0x46: {  	v6 =	vld [tilespmem:s20+$0xFFFFFFE0];
	[tilespmem:s18+$0x2850 ss:$0x81] =	vst.msk $0xffff, v2  }
0x47: {  	s23 =	sshra.s32 s21, $0x2;
	s21 =	smov.u32 s22;
	v7 =	vld [tilespmem:s20+$0xFFFFFFF0];
	[tilespmem:s18+$0x3060 ss:$0x81] =	vst.msk $0xffff, v3  }
.Ltmp3:
0x48: {  	v1 =	vld [tilespmem:s20+$0x0];
	[tilespmem:s18+$0x0 ss:$0x81] =	vst.msk $0xffff, v0;
	s18 =	sadd.s32 s23, s19;
	(pc) =	sbr.rel @p1 .LBB1_3-.Ltmp3, $4  }
0x49: {  	v2 =	vld [tilespmem:s20+$0x10];
	[tilespmem:s18+$0x3870 ss:$0x81] =	vst.msk $0xffff, v4  }
0x4a: {  	[tilespmem:s18+$0x810 ss:$0x81] =	vst.msk $0xffff, v5;
	v3 =	vld [tilespmem:s20+$0x20]  }
0x4b: {  	v0 =	vld [tilespmem:s20+$0xFFFFFFC0];
	[tilespmem:s18+$0x1020 ss:$0x81] =	vst.msk $0xffff, v6;
	s20 =	sadd.s32 $0x80, s20  }
0x4c: {  	s22 =	sadd.s32 $0x4, s22;
	v4 =	vld [tilespmem:s20+$0x30];
	[tilespmem:s18+$0x1830 ss:$0x81] =	vst.msk $0xffff, v7  }
.Ltmp4:
0x4d: {  	_ = 	snop;
	(pc) =	sbr.rel .LBB1_4-.Ltmp4, $1  }
0x4e: {  	_ =	sdelay $0x3  }
.LBB1_6:
0x4f: {  	_ =	sfence.sel $0x180000  }
0x50: {  	s1 =	simm.s32 $0x1;
	[bflag:$0x0] =	sbarrier.arrive $0xFFFF  }
0x51: {  	s31 =	simm.s32 $0x2;
	[sflag:s1] =	ssyncpa.u1 $0x1  }
0x52: {  	[sflag:s31] =	ssyncpa.u1 $0x1  }
0x53: {  	p0 =	sne.s32 s0, $0x0;
	_ =	strace $0x90000047  }
0x54: {  	s0 =	sadd.s32 @!p0 $0x100000, s3;
	[bflag:$0x2] =	sbarrier.arrive $0xFFFF  }
0x55: {  	[sflag:s0] =	ssyncadd.tile.s32 @!p0 $0x1;
	_ =	shalt  }
.Lfunc_end1:
_tile_overlayer_lowered:
.L_overlay_start_2:
0x56: {  	(tag) =	ssettag $0x2  }
0x57: {  	s0 =	rddreg [dreg:$0x0];
	s2 =	stileid.u32  }
0x58: {  	s1 =	rddreg [dreg:$0x1];
	p0 =	sne.s32 s2, $0x0  }
0x59: {  	s3 =	rddreg [dreg:$0x2];
	[bflag:$0x3] =	sbarrier.arrive $0xFFFF;
	s2 =	simm.s32 @!p0 $0x1C01  }
0x5a: {  	[timem:s3], [sflag:s2] =	dma.local @!p0 [hbm:s0], s1  }
0x5b: {  	s0 =	simm.s32 @!p0 $0x1  }
0x5c: {  	_ =	swait.ge @!p0 [sflag:s0], s1  }
0x5d: {  	s1 =	ssub.s32 @!p0 $0x0, s1;
	[sflag:s0] =	ssyncset.done @!p0 $0x0  }
0x5e: {  	[sflag:s0] =	ssyncadd.s32 @!p0 s1  }
0x5f: {  	[bflag:$0x3] =	sbarrier.arrive $0xFFFF  }
0x60: {  	_ =	shalt  }

</sc_bundles>
